<compile_context>
chip_gen: v7x
topology: tpu7x:2x2x1
jax: 0.10.2.dev20260603
libtpu: 0.0.44.dev20260713+nightly
codegen_flags: <defaults>
</compile_context>

<pallas_src>
import functools

import jax
import jax.numpy as jnp
from jax import lax
from jax.experimental import pallas as pl
from jax.experimental.pallas import tpu as pltpu
from jax.experimental.pallas import tpu_sc as plsc

HIDDEN = 64
LANES = 16


@functools.cache
def _build_gather(B: int):
    info = plsc.get_sparse_core_info()
    NC, NS = info.num_cores, info.num_subcores
    NW = NC * NS
    assert B % (8 * NW) == 0
    b_per_w = B // NW
    chunk = b_per_w // 2
    mesh = plsc.VectorSubcoreMesh(core_axis_name="c", subcore_axis_name="s")

    @functools.partial(
        pl.kernel,
        mesh=mesh,
        out_type=jax.ShapeDtypeStruct((B, 2 * HIDDEN), jnp.float32),
        scratch_types=[
            pltpu.VMEM((b_per_w,), jnp.int32),
            pltpu.VMEM((b_per_w,), jnp.int32),
            pltpu.VMEM((b_per_w // 2, 2 * HIDDEN), jnp.float32),
            pltpu.VMEM((b_per_w // 2, 2 * HIDDEN), jnp.float32),
            pltpu.SemaphoreType.DMA,
            pltpu.SemaphoreType.DMA,
        ],
    )
    def gather_concat(uid_hbm, iid_hbm, ctab_hbm, out_hbm,
                      uidx_v, iidx_v, gu_v, gi_v, usem, isem):
        wid = lax.axis_index("s") * NC + lax.axis_index("c")
        base = wid * b_per_w

        pltpu.sync_copy(uid_hbm.at[pl.ds(base, b_per_w)], uidx_v)
        pltpu.sync_copy(iid_hbm.at[pl.ds(base, b_per_w)], iidx_v)

        def merge_row(r, _):
            for c in range(0, HIDDEN, LANES):
                gu_v[r, pl.ds(HIDDEN + c, LANES)] = gi_v[r, pl.ds(HIDDEN + c, LANES)]
            return _

        for k in range(2):
            off = k * chunk
            ucp = pltpu.async_copy(
                ctab_hbm.at[uidx_v.at[pl.ds(off, chunk)]], gu_v, usem)
            icp = pltpu.async_copy(
                ctab_hbm.at[iidx_v.at[pl.ds(off, chunk)]], gi_v, isem)
            ucp.wait()
            icp.wait()
            lax.fori_loop(0, chunk, merge_row, None)
            pltpu.sync_copy(gu_v, out_hbm.at[pl.ds(base + off, chunk)])

    return gather_concat


def kernel(user_id, item_id, user_emb, item_emb):
    B = user_id.shape[0]
    ctab = jnp.concatenate([user_emb, item_emb], axis=1)
    return _build_gather(B)(user_id, item_id, ctab)

# --- scband reference (transcript-rebuilt; emitter-appended) ---
"""Pipeline reference for scband-user-item-8229157339230 (READ-ONLY COPY).

The authoritative reference and input builder live on the scoring server;
editing this copy changes nothing except your own understanding.
"""

import jax, jax.numpy as jnp
import numpy as np

NUM_USERS = 1000000
NUM_ITEMS = 1000000
HIDDEN_DIM = 64
BATCH = 16384


def setup_inputs(seed: int = 0) -> dict:
    key = jax.random.key(seed)
    k1, k2, k3, k4 = jax.random.split(key, 4)
    user_id = jax.random.randint(k1, (BATCH,), 0, NUM_USERS, dtype=jnp.int64 if jax.config.jax_enable_x64 else jnp.int32)
    item_id = jax.random.randint(k2, (BATCH,), 0, NUM_ITEMS, dtype=jnp.int64 if jax.config.jax_enable_x64 else jnp.int32)
    user_emb = jax.random.normal(k3, (NUM_USERS, HIDDEN_DIM), dtype=jnp.float32)
    item_emb = jax.random.normal(k4, (NUM_ITEMS, HIDDEN_DIM), dtype=jnp.float32)
    return {"user_id": user_id, "item_id": item_id, "user_emb": user_emb, "item_emb": item_emb}


def reference(user_id, item_id, user_emb, item_emb):
    u = jnp.take(user_emb, user_id, axis=0)
    i = jnp.take(item_emb, item_id, axis=0)
    outs = jnp.concatenate([u, i], axis=-1)
    return outs

if __name__ == "__main__":
    import jax
    _d = setup_inputs()
    print(jax.jit(kernel)(*tuple(_d.values())))

</pallas_src>

<mosaic_0001>
#map = affine_map<(d0, d1) -> (0)>
#map1 = affine_map<(d0, d1) -> (0, 0)>
module attributes {stable_mosaic.version = 14 : i64} {
  func.func @gather_concat(%arg0: i32, %arg1: i32, %arg2: memref<16384xi32, #tpu.memory_space<hbm>>, %arg3: memref<16384xi32, #tpu.memory_space<hbm>>, %arg4: memref<1000000x128xf32, #tpu.memory_space<hbm>>, %arg5: memref<16384x128xf32, #tpu.memory_space<hbm>>, %arg6: memref<512xi32, #tpu.memory_space<vmem>>, %arg7: memref<512xi32, #tpu.memory_space<vmem>>, %arg8: memref<256x128xf32, #tpu.memory_space<vmem>>, %arg9: memref<256x128xf32, #tpu.memory_space<vmem>>, %arg10: memref<!tpu.dma_semaphore, #tpu.memory_space<semaphore_mem>>, %arg11: memref<!tpu.dma_semaphore, #tpu.memory_space<semaphore_mem>>) attributes {dimension_semantics = [#tpu.dimension_semantics<core_parallel>, #tpu.dimension_semantics<subcore_parallel>], iteration_bounds = array<i64: 2, 16>, scalar_prefetch = 0 : i64, scratch_operands = 6 : i64, tpu.core_type = #tpu.core_type<sc_vector_subcore>, window_params = [{transform_indices = #map}, {transform_indices = #map}, {transform_indices = #map1}, {transform_indices = #map1}]} {
    %mul3A = arith.constant 2 : i32
    %mul3A_0 = arith.muli %arg1, %mul3A : i32
    %add3A = arith.addi %mul3A_0, %arg0 : i32
    %mul3A_1 = arith.constant 512 : i32
    %mul3A_2 = arith.muli %add3A, %mul3A_1 : i32
    "tpu.region"() ({
      %run_scoped3A = tpu.sem_alloc : memref<!tpu.dma_semaphore, #tpu.memory_space<semaphore_mem>>
      %dma_start3A_54 = tpu.memref_slice %arg2[%mul3A_2] : memref<16384xi32, #tpu.memory_space<hbm>> -> memref<512xi32, #tpu.memory_space<hbm>>
      %dma_start3A_55 = tpu.memref_slice %arg2[%mul3A_2] : memref<16384xi32, #tpu.memory_space<hbm>> -> memref<512xi32, #tpu.memory_space<hbm>>
      tpu.enqueue_dma source(%dma_start3A_55 : memref<512xi32, #tpu.memory_space<hbm>>) target(%arg6 : memref<512xi32, #tpu.memory_space<vmem>>) target_semaphore(%run_scoped3A : memref<!tpu.dma_semaphore, #tpu.memory_space<semaphore_mem>>)
      %dma_wait3A_56 = tpu.memref_slice %arg2[%mul3A_2] : memref<16384xi32, #tpu.memory_space<hbm>> -> memref<512xi32, #tpu.memory_space<hbm>>
      %dma_wait3A_57 = tpu.memref_slice %arg2[%mul3A_2] : memref<16384xi32, #tpu.memory_space<hbm>> -> memref<512xi32, #tpu.memory_space<hbm>>
      tpu.wait_dma2 semaphore(%run_scoped3A : memref<!tpu.dma_semaphore, #tpu.memory_space<semaphore_mem>>) src(%dma_wait3A_57 : memref<512xi32, #tpu.memory_space<hbm>>) dst(%arg6 : memref<512xi32, #tpu.memory_space<vmem>>)
      tpu.yield
    }) : () -> ()
    "tpu.region"() ({
      %run_scoped3A = tpu.sem_alloc : memref<!tpu.dma_semaphore, #tpu.memory_space<semaphore_mem>>
      %dma_start3A_54 = tpu.memref_slice %arg3[%mul3A_2] : memref<16384xi32, #tpu.memory_space<hbm>> -> memref<512xi32, #tpu.memory_space<hbm>>
      %dma_start3A_55 = tpu.memref_slice %arg3[%mul3A_2] : memref<16384xi32, #tpu.memory_space<hbm>> -> memref<512xi32, #tpu.memory_space<hbm>>
      tpu.enqueue_dma source(%dma_start3A_55 : memref<512xi32, #tpu.memory_space<hbm>>) target(%arg7 : memref<512xi32, #tpu.memory_space<vmem>>) target_semaphore(%run_scoped3A : memref<!tpu.dma_semaphore, #tpu.memory_space<semaphore_mem>>)
      %dma_wait3A_56 = tpu.memref_slice %arg3[%mul3A_2] : memref<16384xi32, #tpu.memory_space<hbm>> -> memref<512xi32, #tpu.memory_space<hbm>>
      %dma_wait3A_57 = tpu.memref_slice %arg3[%mul3A_2] : memref<16384xi32, #tpu.memory_space<hbm>> -> memref<512xi32, #tpu.memory_space<hbm>>
      tpu.wait_dma2 semaphore(%run_scoped3A : memref<!tpu.dma_semaphore, #tpu.memory_space<semaphore_mem>>) src(%dma_wait3A_57 : memref<512xi32, #tpu.memory_space<hbm>>) dst(%arg7 : memref<512xi32, #tpu.memory_space<vmem>>)
      tpu.yield
    }) : () -> ()
    %dma_start3A = arith.constant 0 : i32
    %dma_start3A_3 = tpu.memref_slice %arg6[%dma_start3A] : memref<512xi32, #tpu.memory_space<vmem>> -> memref<256xi32, #tpu.memory_space<vmem>>
    %dma_start3A_4 = arith.constant 0 : i32
    %dma_start3A_5 = arith.constant 0 : i32
    %dma_start3A_6 = tpu.memref_slice %arg4[%dma_start3A_4, %dma_start3A_5] : memref<1000000x128xf32, #tpu.memory_space<hbm>> -> memref<1000000x128xf32, #tpu.memory_space<hbm>>
    tpu.enqueue_indirect_dma source(%dma_start3A_6 : memref<1000000x128xf32, #tpu.memory_space<hbm>>) target(%arg8 : memref<256x128xf32, #tpu.memory_space<vmem>>) offsets(%dma_start3A_3 : memref<256xi32, #tpu.memory_space<vmem>>) semaphore(%arg10 : memref<!tpu.dma_semaphore, #tpu.memory_space<semaphore_mem>>)
    %dma_start3A_7 = arith.constant 0 : i32
    %dma_start3A_8 = tpu.memref_slice %arg7[%dma_start3A_7] : memref<512xi32, #tpu.memory_space<vmem>> -> memref<256xi32, #tpu.memory_space<vmem>>
    %dma_start3A_9 = arith.constant 0 : i32
    %dma_start3A_10 = arith.constant 0 : i32
    %dma_start3A_11 = tpu.memref_slice %arg4[%dma_start3A_9, %dma_start3A_10] : memref<1000000x128xf32, #tpu.memory_space<hbm>> -> memref<1000000x128xf32, #tpu.memory_space<hbm>>
    tpu.enqueue_indirect_dma source(%dma_start3A_11 : memref<1000000x128xf32, #tpu.memory_space<hbm>>) target(%arg9 : memref<256x128xf32, #tpu.memory_space<vmem>>) offsets(%dma_start3A_8 : memref<256xi32, #tpu.memory_space<vmem>>) semaphore(%arg11 : memref<!tpu.dma_semaphore, #tpu.memory_space<semaphore_mem>>)
    %dma_wait3A = arith.constant 0 : i32
    %dma_wait3A_12 = tpu.memref_slice %arg6[%dma_wait3A] : memref<512xi32, #tpu.memory_space<vmem>> -> memref<256xi32, #tpu.memory_space<vmem>>
    %dma_wait3A_13 = arith.constant 0 : i32
    %dma_wait3A_14 = arith.constant 0 : i32
    %dma_wait3A_15 = tpu.memref_slice %arg4[%dma_wait3A_13, %dma_wait3A_14] : memref<1000000x128xf32, #tpu.memory_space<hbm>> -> memref<1000000x128xf32, #tpu.memory_space<hbm>>
    tpu.wait_indirect_dma semaphore(%arg10 : memref<!tpu.dma_semaphore, #tpu.memory_space<semaphore_mem>>) src(%dma_wait3A_15 : memref<1000000x128xf32, #tpu.memory_space<hbm>>) dst(%arg8 : memref<256x128xf32, #tpu.memory_space<vmem>>)
    %dma_wait3A_16 = arith.constant 0 : i32
    %dma_wait3A_17 = tpu.memref_slice %arg7[%dma_wait3A_16] : memref<512xi32, #tpu.memory_space<vmem>> -> memref<256xi32, #tpu.memory_space<vmem>>
    %dma_wait3A_18 = arith.constant 0 : i32
    %dma_wait3A_19 = arith.constant 0 : i32
    %dma_wait3A_20 = tpu.memref_slice %arg4[%dma_wait3A_18, %dma_wait3A_19] : memref<1000000x128xf32, #tpu.memory_space<hbm>> -> memref<1000000x128xf32, #tpu.memory_space<hbm>>
    tpu.wait_indirect_dma semaphore(%arg11 : memref<!tpu.dma_semaphore, #tpu.memory_space<semaphore_mem>>) src(%dma_wait3A_20 : memref<1000000x128xf32, #tpu.memory_space<hbm>>) dst(%arg9 : memref<256x128xf32, #tpu.memory_space<vmem>>)
    %scan3A = arith.constant 0 : i32
    %scan3A_21 = arith.constant 256 : i32
    %scan3A_22 = arith.addi %scan3A, %scan3A_21 : i32
    %scan3A_23 = arith.constant 1 : i32
    scf.for %scan3A_54 = %scan3A to %scan3A_22 step %scan3A_23  : i32 {
      %get3A = arith.index_cast %scan3A_54 : i32 to index
      %get3A_55 = arith.constant 64 : index
      %get3A_56 = tpu.vector_load %arg9[%get3A, %get3A_55] {strides = array<i32>} : memref<256x128xf32, #tpu.memory_space<vmem>>, vector<1x16xf32>,
      %get3A_57 = vector.shape_cast %get3A_56 : vector<1x16xf32> to vector<16xf32>
      %swap3A = arith.index_cast %scan3A_54 : i32 to index
      %swap3A_58 = arith.constant 64 : index
      %swap3A_59 = tpu.vector_load %arg8[%swap3A, %swap3A_58] {strides = array<i32>} : memref<256x128xf32, #tpu.memory_space<vmem>>, vector<1x16xf32>,
      %swap3A_60 = vector.shape_cast %swap3A_59 : vector<1x16xf32> to vector<16xf32>
      %swap3A_61 = vector.shape_cast %get3A_57 : vector<16xf32> to vector<1x16xf32>
      tpu.vector_store %arg8[%swap3A, %swap3A_58], %swap3A_61 {strides = array<i32>} : memref<256x128xf32, #tpu.memory_space<vmem>>, vector<1x16xf32>,
      %get3A_62 = arith.index_cast %scan3A_54 : i32 to index
      %get3A_63 = arith.constant 80 : index
      %get3A_64 = tpu.vector_load %arg9[%get3A_62, %get3A_63] {strides = array<i32>} : memref<256x128xf32, #tpu.memory_space<vmem>>, vector<1x16xf32>,
      %get3A_65 = vector.shape_cast %get3A_64 : vector<1x16xf32> to vector<16xf32>
      %swap3A_66 = arith.index_cast %scan3A_54 : i32 to index
      %swap3A_67 = arith.constant 80 : index
      %swap3A_68 = tpu.vector_load %arg8[%swap3A_66, %swap3A_67] {strides = array<i32>} : memref<256x128xf32, #tpu.memory_space<vmem>>, vector<1x16xf32>,
      %swap3A_69 = vector.shape_cast %swap3A_68 : vector<1x16xf32> to vector<16xf32>
      %swap3A_70 = vector.shape_cast %get3A_65 : vector<16xf32> to vector<1x16xf32>
      tpu.vector_store %arg8[%swap3A_66, %swap3A_67], %swap3A_70 {strides = array<i32>} : memref<256x128xf32, #tpu.memory_space<vmem>>, vector<1x16xf32>,
      %get3A_71 = arith.index_cast %scan3A_54 : i32 to index
      %get3A_72 = arith.constant 96 : index
      %get3A_73 = tpu.vector_load %arg9[%get3A_71, %get3A_72] {strides = array<i32>} : memref<256x128xf32, #tpu.memory_space<vmem>>, vector<1x16xf32>,
      %get3A_74 = vector.shape_cast %get3A_73 : vector<1x16xf32> to vector<16xf32>
      %swap3A_75 = arith.index_cast %scan3A_54 : i32 to index
      %swap3A_76 = arith.constant 96 : index
      %swap3A_77 = tpu.vector_load %arg8[%swap3A_75, %swap3A_76] {strides = array<i32>} : memref<256x128xf32, #tpu.memory_space<vmem>>, vector<1x16xf32>,
      %swap3A_78 = vector.shape_cast %swap3A_77 : vector<1x16xf32> to vector<16xf32>
      %swap3A_79 = vector.shape_cast %get3A_74 : vector<16xf32> to vector<1x16xf32>
      tpu.vector_store %arg8[%swap3A_75, %swap3A_76], %swap3A_79 {strides = array<i32>} : memref<256x128xf32, #tpu.memory_space<vmem>>, vector<1x16xf32>,
      %get3A_80 = arith.index_cast %scan3A_54 : i32 to index
      %get3A_81 = arith.constant 112 : index
      %get3A_82 = tpu.vector_load %arg9[%get3A_80, %get3A_81] {strides = array<i32>} : memref<256x128xf32, #tpu.memory_space<vmem>>, vector<1x16xf32>,
      %get3A_83 = vector.shape_cast %get3A_82 : vector<1x16xf32> to vector<16xf32>
      %swap3A_84 = arith.index_cast %scan3A_54 : i32 to index
      %swap3A_85 = arith.constant 112 : index
      %swap3A_86 = tpu.vector_load %arg8[%swap3A_84, %swap3A_85] {strides = array<i32>} : memref<256x128xf32, #tpu.memory_space<vmem>>, vector<1x16xf32>,
      %swap3A_87 = vector.shape_cast %swap3A_86 : vector<1x16xf32> to vector<16xf32>
      %swap3A_88 = vector.shape_cast %get3A_83 : vector<16xf32> to vector<1x16xf32>
      tpu.vector_store %arg8[%swap3A_84, %swap3A_85], %swap3A_88 {strides = array<i32>} : memref<256x128xf32, #tpu.memory_space<vmem>>, vector<1x16xf32>,
    }
    %scan3A_24 = arith.constant 256 : i32
    %add3A_25 = arith.constant 0 : i32
    %add3A_26 = arith.addi %mul3A_2, %add3A_25 : i32
    "tpu.region"() ({
      %run_scoped3A = tpu.sem_alloc : memref<!tpu.dma_semaphore, #tpu.memory_space<semaphore_mem>>
      %dma_start3A_54 = arith.constant 0 : i32
      %dma_start3A_55 = tpu.memref_slice %arg5[%add3A_26, %dma_start3A_54] : memref<16384x128xf32, #tpu.memory_space<hbm>> -> memref<256x128xf32, #tpu.memory_space<hbm>>
      %dma_start3A_56 = arith.constant 0 : i32
      %dma_start3A_57 = tpu.memref_slice %arg5[%add3A_26, %dma_start3A_56] : memref<16384x128xf32, #tpu.memory_space<hbm>> -> memref<256x128xf32, #tpu.memory_space<hbm>>
      tpu.enqueue_dma source(%arg8 : memref<256x128xf32, #tpu.memory_space<vmem>>) target(%dma_start3A_57 : memref<256x128xf32, #tpu.memory_space<hbm>>) target_semaphore(%run_scoped3A : memref<!tpu.dma_semaphore, #tpu.memory_space<semaphore_mem>>)
      %dma_wait3A_58 = arith.constant 0 : i32
      %dma_wait3A_59 = tpu.memref_slice %arg5[%add3A_26, %dma_wait3A_58] : memref<16384x128xf32, #tpu.memory_space<hbm>> -> memref<256x128xf32, #tpu.memory_space<hbm>>
      %dma_wait3A_60 = arith.constant 0 : i32
      %dma_wait3A_61 = tpu.memref_slice %arg5[%add3A_26, %dma_wait3A_60] : memref<16384x128xf32, #tpu.memory_space<hbm>> -> memref<256x128xf32, #tpu.memory_space<hbm>>
      tpu.wait_dma2 semaphore(%run_scoped3A : memref<!tpu.dma_semaphore, #tpu.memory_space<semaphore_mem>>) src(%arg8 : memref<256x128xf32, #tpu.memory_space<vmem>>) dst(%dma_wait3A_61 : memref<256x128xf32, #tpu.memory_space<hbm>>)
      tpu.yield
    }) : () -> ()
    %dma_start3A_27 = arith.constant 256 : i32
    %dma_start3A_28 = tpu.memref_slice %arg6[%dma_start3A_27] : memref<512xi32, #tpu.memory_space<vmem>> -> memref<256xi32, #tpu.memory_space<vmem>>
    %dma_start3A_29 = arith.constant 0 : i32
    %dma_start3A_30 = arith.constant 0 : i32
    %dma_start3A_31 = tpu.memref_slice %arg4[%dma_start3A_29, %dma_start3A_30] : memref<1000000x128xf32, #tpu.memory_space<hbm>> -> memref<1000000x128xf32, #tpu.memory_space<hbm>>
    tpu.enqueue_indirect_dma source(%dma_start3A_31 : memref<1000000x128xf32, #tpu.memory_space<hbm>>) target(%arg8 : memref<256x128xf32, #tpu.memory_space<vmem>>) offsets(%dma_start3A_28 : memref<256xi32, #tpu.memory_space<vmem>>) semaphore(%arg10 : memref<!tpu.dma_semaphore, #tpu.memory_space<semaphore_mem>>)
    %dma_start3A_32 = arith.constant 256 : i32
    %dma_start3A_33 = tpu.memref_slice %arg7[%dma_start3A_32] : memref<512xi32, #tpu.memory_space<vmem>> -> memref<256xi32, #tpu.memory_space<vmem>>
    %dma_start3A_34 = arith.constant 0 : i32
    %dma_start3A_35 = arith.constant 0 : i32
    %dma_start3A_36 = tpu.memref_slice %arg4[%dma_start3A_34, %dma_start3A_35] : memref<1000000x128xf32, #tpu.memory_space<hbm>> -> memref<1000000x128xf32, #tpu.memory_space<hbm>>
    tpu.enqueue_indirect_dma source(%dma_start3A_36 : memref<1000000x128xf32, #tpu.memory_space<hbm>>) target(%arg9 : memref<256x128xf32, #tpu.memory_space<vmem>>) offsets(%dma_start3A_33 : memref<256xi32, #tpu.memory_space<vmem>>) semaphore(%arg11 : memref<!tpu.dma_semaphore, #tpu.memory_space<semaphore_mem>>)
    %dma_wait3A_37 = arith.constant 256 : i32
    %dma_wait3A_38 = tpu.memref_slice %arg6[%dma_wait3A_37] : memref<512xi32, #tpu.memory_space<vmem>> -> memref<256xi32, #tpu.memory_space<vmem>>
    %dma_wait3A_39 = arith.constant 0 : i32
    %dma_wait3A_40 = arith.constant 0 : i32
    %dma_wait3A_41 = tpu.memref_slice %arg4[%dma_wait3A_39, %dma_wait3A_40] : memref<1000000x128xf32, #tpu.memory_space<hbm>> -> memref<1000000x128xf32, #tpu.memory_space<hbm>>
    tpu.wait_indirect_dma semaphore(%arg10 : memref<!tpu.dma_semaphore, #tpu.memory_space<semaphore_mem>>) src(%dma_wait3A_41 : memref<1000000x128xf32, #tpu.memory_space<hbm>>) dst(%arg8 : memref<256x128xf32, #tpu.memory_space<vmem>>)
    %dma_wait3A_42 = arith.constant 256 : i32
    %dma_wait3A_43 = tpu.memref_slice %arg7[%dma_wait3A_42] : memref<512xi32, #tpu.memory_space<vmem>> -> memref<256xi32, #tpu.memory_space<vmem>>
    %dma_wait3A_44 = arith.constant 0 : i32
    %dma_wait3A_45 = arith.constant 0 : i32
    %dma_wait3A_46 = tpu.memref_slice %arg4[%dma_wait3A_44, %dma_wait3A_45] : memref<1000000x128xf32, #tpu.memory_space<hbm>> -> memref<1000000x128xf32, #tpu.memory_space<hbm>>
    tpu.wait_indirect_dma semaphore(%arg11 : memref<!tpu.dma_semaphore, #tpu.memory_space<semaphore_mem>>) src(%dma_wait3A_46 : memref<1000000x128xf32, #tpu.memory_space<hbm>>) dst(%arg9 : memref<256x128xf32, #tpu.memory_space<vmem>>)
    %scan3A_47 = arith.constant 0 : i32
    %scan3A_48 = arith.constant 256 : i32
    %scan3A_49 = arith.addi %scan3A_47, %scan3A_48 : i32
    %scan3A_50 = arith.constant 1 : i32
    scf.for %scan3A_54 = %scan3A_47 to %scan3A_49 step %scan3A_50  : i32 {
      %get3A = arith.index_cast %scan3A_54 : i32 to index
      %get3A_55 = arith.constant 64 : index
      %get3A_56 = tpu.vector_load %arg9[%get3A, %get3A_55] {strides = array<i32>} : memref<256x128xf32, #tpu.memory_space<vmem>>, vector<1x16xf32>,
      %get3A_57 = vector.shape_cast %get3A_56 : vector<1x16xf32> to vector<16xf32>
      %swap3A = arith.index_cast %scan3A_54 : i32 to index
      %swap3A_58 = arith.constant 64 : index
      %swap3A_59 = tpu.vector_load %arg8[%swap3A, %swap3A_58] {strides = array<i32>} : memref<256x128xf32, #tpu.memory_space<vmem>>, vector<1x16xf32>,
      %swap3A_60 = vector.shape_cast %swap3A_59 : vector<1x16xf32> to vector<16xf32>
      %swap3A_61 = vector.shape_cast %get3A_57 : vector<16xf32> to vector<1x16xf32>
      tpu.vector_store %arg8[%swap3A, %swap3A_58], %swap3A_61 {strides = array<i32>} : memref<256x128xf32, #tpu.memory_space<vmem>>, vector<1x16xf32>,
      %get3A_62 = arith.index_cast %scan3A_54 : i32 to index
      %get3A_63 = arith.constant 80 : index
      %get3A_64 = tpu.vector_load %arg9[%get3A_62, %get3A_63] {strides = array<i32>} : memref<256x128xf32, #tpu.memory_space<vmem>>, vector<1x16xf32>,
      %get3A_65 = vector.shape_cast %get3A_64 : vector<1x16xf32> to vector<16xf32>
      %swap3A_66 = arith.index_cast %scan3A_54 : i32 to index
      %swap3A_67 = arith.constant 80 : index
      %swap3A_68 = tpu.vector_load %arg8[%swap3A_66, %swap3A_67] {strides = array<i32>} : memref<256x128xf32, #tpu.memory_space<vmem>>, vector<1x16xf32>,
      %swap3A_69 = vector.shape_cast %swap3A_68 : vector<1x16xf32> to vector<16xf32>
      %swap3A_70 = vector.shape_cast %get3A_65 : vector<16xf32> to vector<1x16xf32>
      tpu.vector_store %arg8[%swap3A_66, %swap3A_67], %swap3A_70 {strides = array<i32>} : memref<256x128xf32, #tpu.memory_space<vmem>>, vector<1x16xf32>,
      %get3A_71 = arith.index_cast %scan3A_54 : i32 to index
      %get3A_72 = arith.constant 96 : index
      %get3A_73 = tpu.vector_load %arg9[%get3A_71, %get3A_72] {strides = array<i32>} : memref<256x128xf32, #tpu.memory_space<vmem>>, vector<1x16xf32>,
      %get3A_74 = vector.shape_cast %get3A_73 : vector<1x16xf32> to vector<16xf32>
      %swap3A_75 = arith.index_cast %scan3A_54 : i32 to index
      %swap3A_76 = arith.constant 96 : index
      %swap3A_77 = tpu.vector_load %arg8[%swap3A_75, %swap3A_76] {strides = array<i32>} : memref<256x128xf32, #tpu.memory_space<vmem>>, vector<1x16xf32>,
      %swap3A_78 = vector.shape_cast %swap3A_77 : vector<1x16xf32> to vector<16xf32>
      %swap3A_79 = vector.shape_cast %get3A_74 : vector<16xf32> to vector<1x16xf32>
      tpu.vector_store %arg8[%swap3A_75, %swap3A_76], %swap3A_79 {strides = array<i32>} : memref<256x128xf32, #tpu.memory_space<vmem>>, vector<1x16xf32>,
      %get3A_80 = arith.index_cast %scan3A_54 : i32 to index
      %get3A_81 = arith.constant 112 : index
      %get3A_82 = tpu.vector_load %arg9[%get3A_80, %get3A_81] {strides = array<i32>} : memref<256x128xf32, #tpu.memory_space<vmem>>, vector<1x16xf32>,
      %get3A_83 = vector.shape_cast %get3A_82 : vector<1x16xf32> to vector<16xf32>
      %swap3A_84 = arith.index_cast %scan3A_54 : i32 to index
      %swap3A_85 = arith.constant 112 : index
      %swap3A_86 = tpu.vector_load %arg8[%swap3A_84, %swap3A_85] {strides = array<i32>} : memref<256x128xf32, #tpu.memory_space<vmem>>, vector<1x16xf32>,
      %swap3A_87 = vector.shape_cast %swap3A_86 : vector<1x16xf32> to vector<16xf32>
      %swap3A_88 = vector.shape_cast %get3A_83 : vector<16xf32> to vector<1x16xf32>
      tpu.vector_store %arg8[%swap3A_84, %swap3A_85], %swap3A_88 {strides = array<i32>} : memref<256x128xf32, #tpu.memory_space<vmem>>, vector<1x16xf32>,
    }
    %scan3A_51 = arith.constant 256 : i32
    %add3A_52 = arith.constant 256 : i32
    %add3A_53 = arith.addi %mul3A_2, %add3A_52 : i32
    "tpu.region"() ({
      %run_scoped3A = tpu.sem_alloc : memref<!tpu.dma_semaphore, #tpu.memory_space<semaphore_mem>>
      %dma_start3A_54 = arith.constant 0 : i32
      %dma_start3A_55 = tpu.memref_slice %arg5[%add3A_53, %dma_start3A_54] : memref<16384x128xf32, #tpu.memory_space<hbm>> -> memref<256x128xf32, #tpu.memory_space<hbm>>
      %dma_start3A_56 = arith.constant 0 : i32
      %dma_start3A_57 = tpu.memref_slice %arg5[%add3A_53, %dma_start3A_56] : memref<16384x128xf32, #tpu.memory_space<hbm>> -> memref<256x128xf32, #tpu.memory_space<hbm>>
      tpu.enqueue_dma source(%arg8 : memref<256x128xf32, #tpu.memory_space<vmem>>) target(%dma_start3A_57 : memref<256x128xf32, #tpu.memory_space<hbm>>) target_semaphore(%run_scoped3A : memref<!tpu.dma_semaphore, #tpu.memory_space<semaphore_mem>>)
      %dma_wait3A_58 = arith.constant 0 : i32
      %dma_wait3A_59 = tpu.memref_slice %arg5[%add3A_53, %dma_wait3A_58] : memref<16384x128xf32, #tpu.memory_space<hbm>> -> memref<256x128xf32, #tpu.memory_space<hbm>>
      %dma_wait3A_60 = arith.constant 0 : i32
      %dma_wait3A_61 = tpu.memref_slice %arg5[%add3A_53, %dma_wait3A_60] : memref<16384x128xf32, #tpu.memory_space<hbm>> -> memref<256x128xf32, #tpu.memory_space<hbm>>
      tpu.wait_dma2 semaphore(%run_scoped3A : memref<!tpu.dma_semaphore, #tpu.memory_space<semaphore_mem>>) src(%arg8 : memref<256x128xf32, #tpu.memory_space<vmem>>) dst(%dma_wait3A_61 : memref<256x128xf32, #tpu.memory_space<hbm>>)
      tpu.yield
    }) : () -> ()
    return
  }
}

</mosaic_0001>

<sc_bundles>
// kernel: kernel.3.cloned.1.call-start
scs
__scs_entry_jumppad:
0x0: {  	(pc) =	sbr.rel $0x88, $3  }
0x1: {  	(tag) =	ssettag $0x0;
	lr =	simm.s32 $0x1  }
0x2: {  	[smem:$0x3F9D] =	sst lr;
	_ =	strace $0xD0000000  }
0x3: {  	_ = 	snop  }
0x4: {  	_ = 	snop  }
0x5: {  	_ = 	snop  }
0x6: {  	_ = 	snop  }
0x7: {  	_ = 	snop  }
__scs_overlays_trampoline_lowered:
0x8: {  	[smem:$0x3FAC] =	sst s0  }
0x9: {  	[smem:$0x3FAD] =	sst s1  }
0xa: {  	[smem:$0x3FAE] =	sst s2  }
0xb: {  	[smem:$0x3FAF] =	sst s3  }
0xc: {  	[smem:$0x3FB0] =	sst s4  }
0xd: {  	[smem:$0x3FB1] =	sst s5  }
0xe: {  	[smem:$0x3FB2] =	sst s6  }
0xf: {  	[smem:$0x3FB3] =	sst s7  }
0x10: {  	[smem:$0x3FB4] =	sst s8  }
0x11: {  	[smem:$0x3FB5] =	sst s9;
	s0 =	simm.s32 @!p0 $0x0  }
0x12: {  	s1 =	sld [smem:$0x3F9B];
	s0 =	simm.s32 @p0 $0x1  }
0x13: {  	[smem:$0x3FB6] =	sst s0;
	s0 =	simm.s32 @!p1 $0x0  }
0x14: {  	s2 =	sld [smem:$0x3F9A];
	s0 =	simm.s32 @p1 $0x1  }
0x15: {  	[smem:$0x3FB7] =	sst s0;
	s0 =	simm.s32 @!p2 $0x0  }
0x16: {  	s3 =	sld [smem:$0x3FDB];
	s0 =	simm.s32 @p2 $0x1  }
0x17: {  	s4 =	simm.s32 $0x1BF5;
	[smem:$0x3FB9] =	sst s0  }
0x18: {  	s0 =	sld [smem:$0x3F9C];
	_ =	swait.ge [sflag:s4], $0x0  }
0x19: {  	s7 =	sld [smem:$0x3F9D]  }
0x1a: {  	s8 =	sadd.s32 $0xFFFFE003, lr  }
0x1b: {  	s9 =	sadd.s32 $0xFFFFFEF7, lr;
	s5 =	simm.s32 $0xFFFFFFFF;
	p2 =	slt.u32 s8, $0xFFFFF086  }
0x1c: {  	p1 =	slt.u32 s9, $0xF7A;
	s5 =	simm.s32 @!p2 $0x0  }
0x1d: {  	s5 =	simm.s32 @p1 $0x1;
	p0 =	seq.s32 s7, s2  }
0x1e: {  	s7 =	smul.u32 @!p0 $0xF7A, s2;
	p2 =	seq.s32 @!p0 s5, $0x0  }
0x1f: {  	s9 =	smul.u32 $0xF7A, s1;
	s8 =	simm.s32 @!p0 $0x1BF5;
	p2 =	por !p2, p0  }
0x20: {  	[sflag:s8] =	ssyncset.s32 @!p0 $0xFFFFF086;
	s6 =	sadd.s32 @!p0 s3, s7;
	s7 =	simm.s32 @!p0 $0x108  }
0x21: {  	s3 =	sadd.s32 s3, s9;
	s6 =	sadd.s32 @!p0 $0x88, s6;
	s7 =	simm.s32 @p2 $0x1082  }
0x22: {  	[simem:s7], [sflag:s8] =	dma.local @!p0 [hbm:s6], $0xF7A  }
0x23: {  	s9 =	sor.u32 $0xD0000000, s2;
	s6 =	simm.s32 $0x108;
	_ =	swait.ge @!p0 [sflag:s8], $0x0  }
0x24: {  	s3 =	sadd.s32 $0x88, s3;
	s6 =	simm.s32 @!p1 $0x1082;
	[sflag:s4] =	ssyncset.s32 $0xFFFFF086  }
0x25: {  	[simem:s6], [sflag:s4] =	dma.local [hbm:s3], $0xF7A  }
0x26: {  	[smem:$0x3F9D] =	sst s1;
	(tag) =	ssettag s2;
	_ =	strace s9  }
0x27: {  	s1 =	sld [smem:$0x3FAD]  }
0x28: {  	s2 =	sld [smem:$0x3FAE]  }
0x29: {  	s4 =	sld [smem:$0x3FB0]  }
0x2a: {  	p0 =	seq.s32 s5, $0x0;
	s5 =	sld [smem:$0x3FB1]  }
0x2b: {  	s6 =	sld [smem:$0x3FB2]  }
0x2c: {  	s7 =	sld [smem:$0x3FB3]  }
0x2d: {  	s3 =	simm.s32 $0x108;
	s8 =	sld [smem:$0x3FB4]  }
0x2e: {  	s3 =	simm.s32 @!p0 $0x1082;
	s9 =	sld [smem:$0x3FB5]  }
0x2f: {  	lr =	sadd.s32 s0, s3;
	s0 =	sld [smem:$0x3FAC]  }
0x30: {  	s3 =	sld [smem:$0x3FAF]  }
0x31: {  	[smem:$0x3FB8] =	sst s10  }
0x32: {  	s10 =	sld [smem:$0x3FB6];
	_ =	sdelay $0x3  }
0x33: {  	p0 =	seq.s32 s10, $0x1;
	s10 =	sld [smem:$0x3FB8];
	_ =	sdelay $0x3  }
0x34: {  	[smem:$0x3FB8] =	sst s10  }
0x35: {  	s10 =	sld [smem:$0x3FB7];
	_ =	sdelay $0x3  }
0x36: {  	p1 =	seq.s32 s10, $0x1;
	s10 =	sld [smem:$0x3FB8];
	_ =	sdelay $0x3  }
0x37: {  	[smem:$0x3FB8] =	sst s10  }
0x38: {  	s10 =	sld [smem:$0x3FB9]  }
0x39: {  	_ = 	snop;
	(pc) =	sbr.ind lr, $3  }
0x3a: {  	_ = 	snop  }
0x3b: {  	_ = 	snop  }
0x3c: {  	p2 =	seq.s32 s10, $0x1;
	s10 =	sld [smem:$0x3FB8]  }
0x3d: {  	_ =	shalt  }
0x3e: {  	_ =	shalt  }
0x3f: {  	_ =	shalt  }
0x40: {  	_ =	shalt  }
0x41: {  	_ =	shalt  }
0x42: {  	_ =	shalt  }
0x43: {  	_ =	shalt  }
0x44: {  	_ =	shalt  }
0x45: {  	_ =	shalt  }
0x46: {  	_ =	shalt  }
0x47: {  	_ =	shalt  }
0x48: {  	_ =	shalt  }
0x49: {  	_ =	shalt  }
0x4a: {  	_ =	shalt  }
0x4b: {  	_ =	shalt  }
0x4c: {  	_ =	shalt  }
0x4d: {  	_ =	shalt  }
0x4e: {  	_ =	shalt  }
0x4f: {  	_ =	shalt  }
0x50: {  	_ =	shalt  }
0x51: {  	_ =	shalt  }
0x52: {  	_ =	shalt  }
0x53: {  	_ =	shalt  }
0x54: {  	_ =	shalt  }
0x55: {  	_ =	shalt  }
0x56: {  	_ =	shalt  }
0x57: {  	_ =	shalt  }
0x58: {  	_ =	shalt  }
0x59: {  	_ =	shalt  }
0x5a: {  	_ =	shalt  }
0x5b: {  	_ =	shalt  }
0x5c: {  	_ =	shalt  }
0x5d: {  	_ =	shalt  }
0x5e: {  	_ =	shalt  }
0x5f: {  	_ =	shalt  }
0x60: {  	_ =	shalt  }
0x61: {  	_ =	shalt  }
0x62: {  	_ =	shalt  }
0x63: {  	_ =	shalt  }
0x64: {  	_ =	shalt  }
0x65: {  	_ =	shalt  }
0x66: {  	_ =	shalt  }
0x67: {  	_ =	shalt  }
0x68: {  	_ =	shalt  }
0x69: {  	_ =	shalt  }
0x6a: {  	_ =	shalt  }
0x6b: {  	_ =	shalt  }
0x6c: {  	_ =	shalt  }
0x6d: {  	_ =	shalt  }
0x6e: {  	_ =	shalt  }
0x6f: {  	_ =	shalt  }
0x70: {  	_ =	shalt  }
0x71: {  	_ =	shalt  }
0x72: {  	_ =	shalt  }
0x73: {  	_ =	shalt  }
0x74: {  	_ =	shalt  }
0x75: {  	_ =	shalt  }
0x76: {  	_ =	shalt  }
0x77: {  	_ =	shalt  }
0x78: {  	_ =	shalt  }
0x79: {  	_ =	shalt  }
0x7a: {  	_ =	shalt  }
0x7b: {  	_ =	shalt  }
0x7c: {  	_ =	shalt  }
0x7d: {  	_ =	shalt  }
0x7e: {  	_ =	shalt  }
0x7f: {  	_ =	shalt  }
0x80: {  	_ =	shalt  }
0x81: {  	_ =	shalt  }
0x82: {  	_ =	shalt  }
0x83: {  	_ =	shalt  }
0x84: {  	_ =	shalt  }
0x85: {  	_ =	shalt  }
0x86: {  	_ =	shalt  }
0x87: {  	_ =	shalt  }
.Lfunc_end0:
.L_simem_size_0:
called_computation_lowered:
.L_overlay_start_0:
0x88: {  	s2 =	sld [smem:$0x3FD9]  }
0x89: {  	s3 =	sld [smem:$0x3FFE];
	_ =	sdelay $0x1  }
0x8a: {  	s1 =	srdreg.scid  }
0x8b: {  	s0 =	sand.u32 $0x1, s1  }
0x8c: {  	s17 =	sshll.u32 s0, $0xA;
	s2 =	sadd.s32 s3, s2  }
0x8d: {  	s2 =	sadd.s32 s2, s17  }
0x8e: {  	[smem:$0x3FC4] =	sst s2  }
0x8f: {  	_ = 	snop  }
0x90: {  	s2 =	sld [smem:$0x3FC9]  }
0x91: {  	s18 =	sld [smem:$0x3FC8]  }
0x92: {  	s4 =	sld [smem:$0x3FD0];
	(tm) =	ssettm $0x1  }
0x93: {  	s5 =	sld [smem:$0x3FFB];
	_ =	sdelay $0x3  }
0x94: {  	_ =	strace s5  }
0x95: {  	s5 =	sld [smem:$0x3FFC];
	_ =	sdelay $0x3  }
0x96: {  	_ =	strace s5  }
0x97: {  	s5 =	sld [smem:$0x3FFD];
	_ =	sdelay $0x3  }
0x98: {  	_ =	strace s5  }
0x99: {  	_ =	strace $0x8FFFFFFF  }
0x9a: {  	s19 =	sld [smem:$0x3FDB];
	_ =	sdelay $0x1  }
0x9b: {  	s6 =	simm.s32 $_scs_section_size  }
0x9c: {  	s7 =	simm.s32 $_size__tile_overlayer_lowered;
	s8 =	simm.s32 $_tile_overlayer_lowered  }
0x9d: {  	s22 =	simm.s32 $0x1BFF;
	s21 =	sshll.u32 s8, $0x1;
	s5 =	sadd.s32 s6, s19  }
0x9e: {  	s9 =	simm.s32 $0x0;
	s20 =	sshll.u32 s7, $0x1;
	s7 =	sadd.s32 s21, s5  }
0x9f: {  	[timem:s9], [sflag:s22] =	dma.local [hbm:s7], s20  }
0xa0: {  	_ =	swait.ge [sflag:s22], s20  }
0xa1: {  	s6 =	ssub.s32 $0x0, s20;
	[sflag:s22] =	ssyncset.done $0x0  }
0xa2: {  	[sflag:s22] =	ssyncadd.s32 s6;
	_ =	sdelay $0x1  }
0xa3: {  	s23 =	simm.s32 $0x1B8B  }
0xa4: {  	_ =	swait.ge [sflag:s23], $0x1  }
0xa5: {  	[sflag:s23] =	ssyncset.done $0x0  }
0xa6: {  	s25 =	simm.s32 $0x1B8E;
	s24 =	sld [smem:$0x3FFE];
	[sflag:s23] =	ssyncadd.s32 $0xFFFFFFFF  }
0xa7: {  	s26 =	simm.s32 $execute0_lowered;
	[smem:$0x3FD2] =	sst s25  }
0xa8: {  	s7 =	sshll.u32 s26, $0x1;
	_ =	strace $0x80000046;
	[dreg:$0x1] =	wrdreg $0xFFFFFFFF  }
0xa9: {  	s28 =	simm.s32 $_size_execute0_lowered;
	s5 =	sadd.s32 s5, s7;
	[dreg:$0x0] =	wrdreg $0x0  }
0xaa: {  	s7 =	sshll.u32 s28, $0x1;
	[dreg:$0x2] =	wrdreg s5  }
0xab: {  	[dreg:$0x3] =	wrdreg s7  }
0xac: {  	[dreg:$0x4] =	wrdreg $0xC0  }
0xad: {  	_ =	task [dreg:s9], $0x5FFFF  }
0xae: {  	[dreg:$0x1] =	wrdreg $0xFFFFFFFF  }
0xaf: {  	[dreg:$0x0] =	wrdreg $0x60  }
0xb0: {  	[dreg:$0x2] =	wrdreg s2  }
0xb1: {  	[dreg:$0x3] =	wrdreg s18  }
0xb2: {  	[dreg:$0x4] =	wrdreg s24  }
0xb3: {  	[dreg:$0x5] =	wrdreg s4  }
0xb4: {  	[dreg:$0x6] =	wrdreg $0x9  }
0xb5: {  	_ =	task.clear_ibuf [dreg:s9], $0x7FFFF;
	_ =	strace $0x90000046  }
0xb6: {  	s29 =	simm.s32 $0x9;
	_ =	strace $0x80000048  }
0xb7: {  	_ =	swait.ge [sflag:s29], $0x1  }
0xb8: {  	[sflag:s29] =	ssyncadd.s32 $0xFFFFFFFF  }
0xb9: {  	_ =	strace $0x90000048  }
0xba: {  	_ =	sfence  }
0xbb: {  	s30 =	sld [smem:$0x0];
	_ =	sdelay $0x2  }
0xbc: {  	s31 =	sshll.u32 s1, $0xD;
	s1 =	sshrl.u32 s1, $0x2  }
0xbd: {  	s3 =	sand.u32 $0x4000, s31;
	s1 =	sadd.s32 s1, s30  }
0xbe: {  	s0 =	sor.u32 s3, s0;
	s1 =	sshll.u32 s1, $0x11  }
0xbf: {  	s0 =	sor.u32 s1, s0  }
0xc0: {  	s0 =	sadd.s32 $0x8F2B, s0  }
0xc1: {  	[sflag:s0] =	ssyncadd.remote.s32 $0x1  }
0xc2: {  	_ =	sfence.sel $0xFFFF  }
0xc3: {  	[dreg:$0x0] =	wrdreg $0xFFFFFFFF;
	(pc) =	sbr.abs _section_cstart, $3  }
0xc4: {  	[dreg:$0x1] =	wrdreg $0xFFFFFFFF  }
0xc5: {  	_ =	task.clear_ibuf [dreg:s9], $0x2FFFF;
	_ =	strace $0x9FFFFFFF  }
0xc6: {  	(tm) =	ssettm $0x7FFFFFFF  }
0xc7: {  	_ =	shalt  }
tec
execute0_lowered:
.L_overlay_start_1:
0x0: {  	(tag) =	ssettag $0x1  }
0x1: {  	s4 =	rddreg [dreg:$0x0]  }
0x2: {  	s6 =	rddreg [dreg:$0x1]  }
0x3: {  	s3 =	rddreg [dreg:$0x2]  }
0x4: {  	s5 =	rddreg [dreg:$0x3]  }
0x5: {  	s0 =	rddreg [dreg:$0x4];
	s2 =	simm.s32 $0x0;
	s7 =	srdreg.scid  }
0x6: {  	s1 =	stileid.u32;
	s11 =	simm.s32 $0x100;
	s12 =	simm.s32 $0x400  }
0x7: {  	s13 =	simm.s32 $0x8400;
	s14 =	simm.s32 $0x1;
	s15 =	simm.s32 $0x2  }
0x8: {  	s16 =	simm.s32 $0x300;
	s17 =	simm.s32 $0x0;
	s7 =	sand.u32 $0x1, s7  }
0x9: {  	[smem:$0x7FF] =	sst s2;
	s8 =	sshll.u32 s1, $0xA;
	s9 =	sshll.u32 s7, $0x9  }
0xa: {  	s3 =	sadd.s32 $0x1E84C00, s3;
	s7 =	ssub.s32 $0x2, s7;
	s8 =	sor.u32 s9, s8  }
0xb: {  	_ =	strace $0x80000047;
	s31 =	sshrl.u32 s7, $0x1;
	s10 =	sshrl.u32 s8, $0x3  }
0xc: {  	s8 =	sshll.u32 s8, $0x4;
	s9 =	ssub.s32 s7, s31;
	s4 =	sadd.s32 s4, s10  }
0xd: {  	s5 =	sadd.s32 s5, s8;
	s6 =	sadd.s32 s6, s10;
	s8 =	smax.u32 s9, $0x1  }
0xe: {  	s9 =	simm.s32 $0x3;
	s10 =	simm.s32 $0x200;
	s7 =	sadd.s32 $0x1000, s5  }
.LBB2_1:
0xf: {  	[tilespmem:s2], [sflag:$0x3] =	stream.linear.gather [hbm4b:s4+s2], $0x200, $0x38;
	[tilespmem:$0x10400] =	vst v63  }
0x10: {  	_ =	swait.ge [sflag:s9], $0x200  }
0x11: {  	[sflag:s9] =	ssyncset.done $0x0  }
0x12: {  	[sflag:s9] =	ssyncadd.s32 $0xFFFFFE00  }
0x13: {  	[tilespmem:s10], [sflag:$0x3] =	stream.linear.gather [hbm4b:s6+s2], $0x200, $0x38;
	[tilespmem:$0x10400] =	vst v63  }
0x14: {  	_ =	swait.ge [sflag:s9], $0x200  }
0x15: {  	[sflag:s9] =	ssyncset.done $0x0  }
0x16: {  	[sflag:s9] =	ssyncadd.s32 $0xFFFFFE00  }
0x17: {  	[tilespmem:s12], [sflag:$0x1] =	stream.indirect.gather [hbm4b:s3+s11], $0x80, s2, s11, $0xb8;
	[tilespmem:$0x10400] =	vst v63  }
0x18: {  	_ = 	snop  }
0x19: {  	[tilespmem:s13], [sflag:$0x2] =	stream.indirect.gather [hbm4b:s3+s11], $0x80, s10, s11, $0xb8;
	[tilespmem:$0x10400] =	vst v63  }
0x1a: {  	_ =	swait.ge [sflag:s14], $0x8000  }
0x1b: {  	[sflag:s14] =	ssyncset.done $0x0  }
0x1c: {  	[sflag:s14] =	ssyncadd.s32 $0xFFFF8000  }
0x1d: {  	_ =	swait.ge [sflag:s15], $0x8000  }
0x1e: {  	[sflag:s15] =	ssyncset.done $0x0  }
0x1f: {  	s18 =	simm.s32 $0x0;
	[sflag:s15] =	ssyncadd.s32 $0xFFFF8000  }
0x20: {  	v0 =	vld [tilespmem:s18+$0x8470]  }
0x21: {  	v1 =	vld [tilespmem:s18+$0x8440]  }
0x22: {  	v2 =	vld [tilespmem:s18+$0x8450]  }
0x23: {  	s19 =	simm.s32 $0x200;
	v3 =	vld [tilespmem:s18+$0x8460]  }
.LBB2_2:
0x24: {  	p0 =	sne.s32 s19, $0x1FE00  }
.Ltmp0:
0x25: {  	s20 =	sshra.s32 s19, $0x2;
	s19 =	sadd.s32 $0x200, s19;
	[tilespmem:s18+$0x470] =	vst v0;
	(pc) =	sbr.rel @p0 .LBB2_2-.Ltmp0, $4  }
0x26: {  	v0 =	vld [tilespmem:s20+$0x8470];
	[tilespmem:s18+$0x440] =	vst v1  }
0x27: {  	v1 =	vld [tilespmem:s20+$0x8440];
	[tilespmem:s18+$0x450] =	vst v2  }
0x28: {  	v2 =	vld [tilespmem:s20+$0x8450];
	[tilespmem:s18+$0x460] =	vst v3;
	s18 =	smov.u32 s20  }
0x29: {  	v3 =	vld [tilespmem:s18+$0x8460]  }
0x2a: {  	_ = 	snop  }
0x2b: {  	[tilespmem:s18+$0x470] =	vst v0  }
0x2c: {  	[tilespmem:s18+$0x440] =	vst v1  }
0x2d: {  	[tilespmem:s18+$0x450] =	vst v2  }
0x2e: {  	s31 =	simm.s32 $0x0;
	[tilespmem:s18+$0x460] =	vst v3  }
0x2f: {  	[hbm4b:s5+s31] =	stream.linear.scatter [tilespmem:s12], [sflag:$0x3], $0x8000, $0x38;
	[tilespmem:$0x10400] =	vst v63  }
0x30: {  	_ =	swait.ge [sflag:s9], $0x8000  }
0x31: {  	[sflag:s9] =	ssyncset.done $0x0  }
0x32: {  	[sflag:s9] =	ssyncadd.s32 $0xFFFF8000  }
0x33: {  	[tilespmem:s12], [sflag:$0x1] =	stream.indirect.gather [hbm4b:s3+s11], $0x80, s11, s11, $0xb8;
	[tilespmem:$0x10400] =	vst v63  }
0x34: {  	_ = 	snop  }
0x35: {  	[tilespmem:s13], [sflag:$0x2] =	stream.indirect.gather [hbm4b:s3+s11], $0x80, s16, s11, $0xb8;
	[tilespmem:$0x10400] =	vst v63  }
0x36: {  	_ =	swait.ge [sflag:s14], $0x8000  }
0x37: {  	[sflag:s14] =	ssyncset.done $0x0  }
0x38: {  	[sflag:s14] =	ssyncadd.s32 $0xFFFF8000  }
0x39: {  	_ =	swait.ge [sflag:s15], $0x8000  }
0x3a: {  	[sflag:s15] =	ssyncset.done $0x0  }
0x3b: {  	s18 =	simm.s32 $0x0;
	[sflag:s15] =	ssyncadd.s32 $0xFFFF8000  }
0x3c: {  	v0 =	vld [tilespmem:s18+$0x8470]  }
0x3d: {  	v1 =	vld [tilespmem:s18+$0x8440]  }
0x3e: {  	v2 =	vld [tilespmem:s18+$0x8450]  }
0x3f: {  	s19 =	simm.s32 $0x200;
	v3 =	vld [tilespmem:s18+$0x8460]  }
.LBB2_4:
0x40: {  	p0 =	sne.s32 s19, $0x1FE00  }
.Ltmp1:
0x41: {  	s20 =	sshra.s32 s19, $0x2;
	s19 =	sadd.s32 $0x200, s19;
	[tilespmem:s18+$0x470] =	vst v0;
	(pc) =	sbr.rel @p0 .LBB2_4-.Ltmp1, $4  }
0x42: {  	v0 =	vld [tilespmem:s20+$0x8470];
	[tilespmem:s18+$0x440] =	vst v1  }
0x43: {  	v1 =	vld [tilespmem:s20+$0x8440];
	[tilespmem:s18+$0x450] =	vst v2  }
0x44: {  	v2 =	vld [tilespmem:s20+$0x8450];
	[tilespmem:s18+$0x460] =	vst v3;
	s18 =	smov.u32 s20  }
0x45: {  	v3 =	vld [tilespmem:s18+$0x8460]  }
0x46: {  	_ = 	snop  }
0x47: {  	[tilespmem:s18+$0x470] =	vst v0  }
0x48: {  	s17 =	sadd.s32 $0x1, s17;
	[tilespmem:s18+$0x440] =	vst v1  }
0x49: {  	p0 =	sne.s32 s17, s8;
	[tilespmem:s18+$0x450] =	vst v2  }
.Ltmp2:
0x4a: {  	[tilespmem:s18+$0x460] =	vst v3;
	(pc) =	sbr.rel @p0 .LBB2_1-.Ltmp2, $4  }
0x4b: {  	[hbm4b:s7+s2] =	stream.linear.scatter [tilespmem:s12], [sflag:$0x3], $0x8000, $0x38;
	[tilespmem:$0x10400] =	vst v63  }
0x4c: {  	_ =	swait.ge [sflag:s9], $0x8000  }
0x4d: {  	[sflag:s9] =	ssyncset.done $0x0  }
0x4e: {  	[sflag:s9] =	ssyncadd.s32 $0xFFFF8000  }
0x4f: {  	_ =	sfence.sel $0x180000  }
0x50: {  	[bflag:$0x0] =	sbarrier.arrive $0xFFFF  }
0x51: {  	p0 =	sne.s32 s1, $0x0;
	_ =	strace $0x90000047  }
0x52: {  	s0 =	sadd.s32 @!p0 $0x100000, s0;
	[bflag:$0x2] =	sbarrier.arrive $0xFFFF  }
0x53: {  	[sflag:s0] =	ssyncadd.tile.s32 @!p0 $0x1;
	_ =	shalt  }
.Lfunc_end2:
_tile_overlayer_lowered:
.L_overlay_start_2:
0x54: {  	(tag) =	ssettag $0x2  }
0x55: {  	s0 =	rddreg [dreg:$0x0];
	s2 =	stileid.u32  }
0x56: {  	s1 =	rddreg [dreg:$0x1];
	p0 =	sne.s32 s2, $0x0  }
0x57: {  	s3 =	rddreg [dreg:$0x2];
	[bflag:$0x3] =	sbarrier.arrive $0xFFFF;
	s2 =	simm.s32 @!p0 $0x1C03  }
0x58: {  	[timem:s3], [sflag:s2] =	dma.local @!p0 [hbm:s0], s1  }
0x59: {  	s0 =	simm.s32 @!p0 $0x3  }
0x5a: {  	_ =	swait.ge @!p0 [sflag:s0], s1  }
0x5b: {  	s1 =	ssub.s32 @!p0 $0x0, s1;
	[sflag:s0] =	ssyncset.done @!p0 $0x0  }
0x5c: {  	[sflag:s0] =	ssyncadd.s32 @!p0 s1  }
0x5d: {  	[bflag:$0x3] =	sbarrier.arrive $0xFFFF  }
0x5e: {  	_ =	shalt  }

</sc_bundles>
